<compile_context>
chip_gen: v7x
topology: tpu7x:2x2x1
jax: 0.10.2.dev20260603
libtpu: 0.0.44.dev20260713+nightly
codegen_flags: <defaults>
</compile_context>

<pallas_src>
import functools

import jax
import jax.numpy as jnp
from jax import lax
from jax.experimental import pallas as pl
from jax.experimental.pallas import tpu as pltpu
from jax.experimental.pallas import tpu_sc as plsc


def _argmin_kernel(x_ref, w_ref, x2_ref, w2_ref, idx_ref, loss_ref, *, k_total):
    x = x_ref[:]
    w = w_ref[:]

    x2 = x2_ref[:]
    w2 = w2_ref[:]
    n2dot = jax.lax.dot_general(
        -2.0 * x, w, (((1,), (1,)), ((), ())),
        preferred_element_type=jnp.float32)
    d2 = x2 + w2 + n2dot
    c = jnp.maximum(d2, 0.0)
    dist = jnp.sqrt(c)

    m = jnp.min(dist, axis=1, keepdims=True)
    iota = jax.lax.broadcasted_iota(jnp.int32, dist.shape, 1)
    idx_ref[:] = jnp.min(jnp.where(dist == m, iota, k_total),
                         axis=1, keepdims=True)

    m2 = jnp.min(c, axis=1)
    loss_ref[...] = jnp.sum(m2).reshape(1, 1, 1)


def _st_kernel(x_ref, q_ref, out_ref):
    x = x_ref[:]
    q = q_ref[:, : x.shape[1]]
    out_ref[:] = x + (q - x)


def _sc_gather(table, idx, n, d):
    info = plsc.get_sparse_core_info()
    nc, ns = info.num_cores, info.num_subcores
    nw = nc * ns
    b_per_w = n // nw
    mesh = plsc.VectorSubcoreMesh(core_axis_name="c", subcore_axis_name="s")

    n_chunks = 2
    b_chunk = b_per_w // n_chunks

    @functools.partial(
        pl.kernel, mesh=mesh,
        out_type=jax.ShapeDtypeStruct((n, d), jnp.float32),
        scratch_types=[
            pltpu.VMEM((b_chunk,), jnp.int32),
            pltpu.VMEM((b_chunk, d), jnp.float32),
            pltpu.SemaphoreType.DMA,
        ],
    )
    def gather_k(table_hbm, idx_hbm, out_hbm, idx_v, rows_v, sem):
        wid = lax.axis_index("s") * nc + lax.axis_index("c")
        for ch in range(n_chunks):
            base = wid * b_per_w + ch * b_chunk
            pltpu.sync_copy(idx_hbm.at[pl.ds(base, b_chunk)], idx_v)
            pltpu.async_copy(table_hbm.at[idx_v], rows_v, sem).wait()
            pltpu.sync_copy(rows_v, out_hbm.at[pl.ds(base, b_chunk)])

    return gather_k(table, idx)


def _argmin_call(x_half, W, x2_half, w2, k, bn):
    nh, d = x_half.shape
    return pl.pallas_call(
        functools.partial(_argmin_kernel, k_total=k),
        grid=(nh // bn,),
        in_specs=[
            pl.BlockSpec((bn, d), lambda i: (i, 0)),
            pl.BlockSpec((k, d), lambda i: (0, 0)),
            pl.BlockSpec((bn, 1), lambda i: (i, 0)),
            pl.BlockSpec((1, k), lambda i: (0, 0)),
        ],
        out_specs=[
            pl.BlockSpec((bn, 1), lambda i: (i, 0)),
            pl.BlockSpec((1, 1, 1), lambda i: (i, 0, 0)),
        ],
        out_shape=[
            jax.ShapeDtypeStruct((nh, 1), jnp.int32),
            jax.ShapeDtypeStruct((nh // bn, 1, 1), jnp.float32),
        ],
        compiler_params=pltpu.CompilerParams(
            dimension_semantics=("parallel",)),
    )(x_half, W, x2_half, w2)


def _st_call(x_half, q_half, bs):
    nh, d = x_half.shape
    return pl.pallas_call(
        _st_kernel,
        grid=(nh // bs,),
        in_specs=[
            pl.BlockSpec((bs, d), lambda i: (i, 0)),
            pl.BlockSpec((bs, 128), lambda i: (i, 0)),
        ],
        out_specs=pl.BlockSpec((bs, d), lambda i: (i, 0)),
        out_shape=jax.ShapeDtypeStruct((nh, d), jnp.float32),
        compiler_params=pltpu.CompilerParams(
            dimension_semantics=("parallel",)),
    )(x_half, q_half)


def kernel(weights_flat, W):
    n, d = weights_flat.shape
    k, _ = W.shape
    bn = 1024
    nh = n // 2

    x2 = jnp.sum(weights_flat * weights_flat, axis=1, keepdims=True)
    w2 = jnp.sum(W * W, axis=1)[None, :]

    w_pad = jnp.concatenate(
        [W, jnp.zeros((k, 128 - d), jnp.float32)], axis=1)

    x_a, x_b = weights_flat[:nh], weights_flat[nh:]
    idx1, loss1 = _argmin_call(x_a, W, x2[:nh], w2, k, bn)
    q1 = _sc_gather(w_pad, idx1.reshape(nh), nh, 128)
    idx2, loss2 = _argmin_call(x_b, W, x2[nh:], w2, k, bn)
    q2 = _sc_gather(w_pad, idx2.reshape(nh), nh, 128)
    out1 = _st_call(x_a, q1, 2048)
    out2 = _st_call(x_b, q2, 2048)
    out = jnp.concatenate([out1, out2], axis=0)

    mean_sq = (jnp.sum(loss1) + jnp.sum(loss2)) / (n * d)
    vq_loss = mean_sq + 0.1 * mean_sq
    return (out, vq_loss)

# --- scband reference (transcript-rebuilt; emitter-appended) ---
"""Pipeline reference for scband-vector-quantizer-38938173506079 (READ-ONLY COPY).

The authoritative reference and input builder live on the scoring server;
editing this copy changes nothing except your own understanding.
"""

import jax, jax.numpy as jnp
import numpy as np

N = 36864
K = 1024
D = 64

def setup_inputs(seed: int = 0) -> dict:
    key = jax.random.key(seed)
    k1, k2 = jax.random.split(key)
    weights_flat = jax.random.normal(k1, (N, D), dtype=jnp.float32)
    # nn.Embedding weight initialized uniform(-1/num_embeddings, 1/num_embeddings)
    W = jax.random.uniform(k2, (K, D), dtype=jnp.float32, minval=-1.0 / K, maxval=1.0 / K)
    return {"weights_flat": weights_flat, "W": W}

def reference(weights_flat, W):
    # torch.cdist(x, w) with default p=2: pairwise euclidean distances
    x2 = jnp.sum(weights_flat * weights_flat, axis=1, keepdims=True)  # [N,1]
    w2 = jnp.sum(W * W, axis=1)[None, :]                              # [1,K]
    d2 = x2 + w2 - 2.0 * (weights_flat @ W.T)                         # [N,K]
    distances = jnp.sqrt(jnp.maximum(d2, 0.0))
    indices = jnp.argmin(distances, axis=1)                           # [N]
    quantized = jnp.take(W, indices, axis=0)                          # embedding lookup
    sg = jax.lax.stop_gradient
    vq_loss = jnp.mean((sg(quantized) - weights_flat) ** 2) + 0.1 * jnp.mean((quantized - sg(weights_flat)) ** 2)
    # straight-through estimator
    quantized_st = weights_flat + sg(quantized - weights_flat)
    return (quantized_st, vq_loss)

if __name__ == "__main__":
    import jax
    _d = setup_inputs()
    print(jax.jit(kernel)(*tuple(_d.values())))

</pallas_src>

<mosaic_0001>
#map = affine_map<(d0, d1) -> (0, 0)>
#map1 = affine_map<(d0, d1) -> (0)>
module attributes {stable_mosaic.version = 14 : i64} {
  func.func @gather_k(%arg0: i32, %arg1: i32, %arg2: memref<1024x128xf32, #tpu.memory_space<hbm>>, %arg3: memref<18432xi32, #tpu.memory_space<hbm>>, %arg4: memref<18432x128xf32, #tpu.memory_space<hbm>>, %arg5: memref<288xi32, #tpu.memory_space<vmem>>, %arg6: memref<288x128xf32, #tpu.memory_space<vmem>>, %arg7: memref<!tpu.dma_semaphore, #tpu.memory_space<semaphore_mem>>) attributes {dimension_semantics = [#tpu.dimension_semantics<core_parallel>, #tpu.dimension_semantics<subcore_parallel>], iteration_bounds = array<i64: 2, 16>, scalar_prefetch = 0 : i64, scratch_operands = 3 : i64, tpu.core_type = #tpu.core_type<sc_vector_subcore>, window_params = [{transform_indices = #map}, {transform_indices = #map1}, {transform_indices = #map}]} {
    %mul3A = arith.constant 2 : i32
    %mul3A_0 = arith.muli %arg1, %mul3A : i32
    %add3A = arith.addi %mul3A_0, %arg0 : i32
    %mul3A_1 = arith.constant 576 : i32
    %mul3A_2 = arith.muli %add3A, %mul3A_1 : i32
    %add3A_3 = arith.constant 0 : i32
    %add3A_4 = arith.addi %mul3A_2, %add3A_3 : i32
    "tpu.region"() ({
      %run_scoped3A = tpu.sem_alloc : memref<!tpu.dma_semaphore, #tpu.memory_space<semaphore_mem>>
      %dma_start3A_19 = tpu.memref_slice %arg3[%add3A_4] : memref<18432xi32, #tpu.memory_space<hbm>> -> memref<288xi32, #tpu.memory_space<hbm>>
      %dma_start3A_20 = tpu.memref_slice %arg3[%add3A_4] : memref<18432xi32, #tpu.memory_space<hbm>> -> memref<288xi32, #tpu.memory_space<hbm>>
      tpu.enqueue_dma source(%dma_start3A_20 : memref<288xi32, #tpu.memory_space<hbm>>) target(%arg5 : memref<288xi32, #tpu.memory_space<vmem>>) target_semaphore(%run_scoped3A : memref<!tpu.dma_semaphore, #tpu.memory_space<semaphore_mem>>)
      %dma_wait3A_21 = tpu.memref_slice %arg3[%add3A_4] : memref<18432xi32, #tpu.memory_space<hbm>> -> memref<288xi32, #tpu.memory_space<hbm>>
      %dma_wait3A_22 = tpu.memref_slice %arg3[%add3A_4] : memref<18432xi32, #tpu.memory_space<hbm>> -> memref<288xi32, #tpu.memory_space<hbm>>
      tpu.wait_dma2 semaphore(%run_scoped3A : memref<!tpu.dma_semaphore, #tpu.memory_space<semaphore_mem>>) src(%dma_wait3A_22 : memref<288xi32, #tpu.memory_space<hbm>>) dst(%arg5 : memref<288xi32, #tpu.memory_space<vmem>>)
      tpu.yield
    }) : () -> ()
    %dma_start3A = arith.constant 0 : i32
    %dma_start3A_5 = arith.constant 0 : i32
    %dma_start3A_6 = tpu.memref_slice %arg2[%dma_start3A, %dma_start3A_5] : memref<1024x128xf32, #tpu.memory_space<hbm>> -> memref<1024x128xf32, #tpu.memory_space<hbm>>
    tpu.enqueue_indirect_dma source(%dma_start3A_6 : memref<1024x128xf32, #tpu.memory_space<hbm>>) target(%arg6 : memref<288x128xf32, #tpu.memory_space<vmem>>) offsets(%arg5 : memref<288xi32, #tpu.memory_space<vmem>>) semaphore(%arg7 : memref<!tpu.dma_semaphore, #tpu.memory_space<semaphore_mem>>)
    %dma_wait3A = arith.constant 0 : i32
    %dma_wait3A_7 = arith.constant 0 : i32
    %dma_wait3A_8 = tpu.memref_slice %arg2[%dma_wait3A, %dma_wait3A_7] : memref<1024x128xf32, #tpu.memory_space<hbm>> -> memref<1024x128xf32, #tpu.memory_space<hbm>>
    tpu.wait_indirect_dma semaphore(%arg7 : memref<!tpu.dma_semaphore, #tpu.memory_space<semaphore_mem>>) src(%dma_wait3A_8 : memref<1024x128xf32, #tpu.memory_space<hbm>>) dst(%arg6 : memref<288x128xf32, #tpu.memory_space<vmem>>)
    "tpu.region"() ({
      %run_scoped3A = tpu.sem_alloc : memref<!tpu.dma_semaphore, #tpu.memory_space<semaphore_mem>>
      %dma_start3A_19 = arith.constant 0 : i32
      %dma_start3A_20 = tpu.memref_slice %arg4[%add3A_4, %dma_start3A_19] : memref<18432x128xf32, #tpu.memory_space<hbm>> -> memref<288x128xf32, #tpu.memory_space<hbm>>
      %dma_start3A_21 = arith.constant 0 : i32
      %dma_start3A_22 = tpu.memref_slice %arg4[%add3A_4, %dma_start3A_21] : memref<18432x128xf32, #tpu.memory_space<hbm>> -> memref<288x128xf32, #tpu.memory_space<hbm>>
      tpu.enqueue_dma source(%arg6 : memref<288x128xf32, #tpu.memory_space<vmem>>) target(%dma_start3A_22 : memref<288x128xf32, #tpu.memory_space<hbm>>) target_semaphore(%run_scoped3A : memref<!tpu.dma_semaphore, #tpu.memory_space<semaphore_mem>>)
      %dma_wait3A_23 = arith.constant 0 : i32
      %dma_wait3A_24 = tpu.memref_slice %arg4[%add3A_4, %dma_wait3A_23] : memref<18432x128xf32, #tpu.memory_space<hbm>> -> memref<288x128xf32, #tpu.memory_space<hbm>>
      %dma_wait3A_25 = arith.constant 0 : i32
      %dma_wait3A_26 = tpu.memref_slice %arg4[%add3A_4, %dma_wait3A_25] : memref<18432x128xf32, #tpu.memory_space<hbm>> -> memref<288x128xf32, #tpu.memory_space<hbm>>
      tpu.wait_dma2 semaphore(%run_scoped3A : memref<!tpu.dma_semaphore, #tpu.memory_space<semaphore_mem>>) src(%arg6 : memref<288x128xf32, #tpu.memory_space<vmem>>) dst(%dma_wait3A_26 : memref<288x128xf32, #tpu.memory_space<hbm>>)
      tpu.yield
    }) : () -> ()
    %mul3A_9 = arith.constant 576 : i32
    %mul3A_10 = arith.muli %add3A, %mul3A_9 : i32
    %add3A_11 = arith.constant 288 : i32
    %add3A_12 = arith.addi %mul3A_10, %add3A_11 : i32
    "tpu.region"() ({
      %run_scoped3A = tpu.sem_alloc : memref<!tpu.dma_semaphore, #tpu.memory_space<semaphore_mem>>
      %dma_start3A_19 = tpu.memref_slice %arg3[%add3A_12] : memref<18432xi32, #tpu.memory_space<hbm>> -> memref<288xi32, #tpu.memory_space<hbm>>
      %dma_start3A_20 = tpu.memref_slice %arg3[%add3A_12] : memref<18432xi32, #tpu.memory_space<hbm>> -> memref<288xi32, #tpu.memory_space<hbm>>
      tpu.enqueue_dma source(%dma_start3A_20 : memref<288xi32, #tpu.memory_space<hbm>>) target(%arg5 : memref<288xi32, #tpu.memory_space<vmem>>) target_semaphore(%run_scoped3A : memref<!tpu.dma_semaphore, #tpu.memory_space<semaphore_mem>>)
      %dma_wait3A_21 = tpu.memref_slice %arg3[%add3A_12] : memref<18432xi32, #tpu.memory_space<hbm>> -> memref<288xi32, #tpu.memory_space<hbm>>
      %dma_wait3A_22 = tpu.memref_slice %arg3[%add3A_12] : memref<18432xi32, #tpu.memory_space<hbm>> -> memref<288xi32, #tpu.memory_space<hbm>>
      tpu.wait_dma2 semaphore(%run_scoped3A : memref<!tpu.dma_semaphore, #tpu.memory_space<semaphore_mem>>) src(%dma_wait3A_22 : memref<288xi32, #tpu.memory_space<hbm>>) dst(%arg5 : memref<288xi32, #tpu.memory_space<vmem>>)
      tpu.yield
    }) : () -> ()
    %dma_start3A_13 = arith.constant 0 : i32
    %dma_start3A_14 = arith.constant 0 : i32
    %dma_start3A_15 = tpu.memref_slice %arg2[%dma_start3A_13, %dma_start3A_14] : memref<1024x128xf32, #tpu.memory_space<hbm>> -> memref<1024x128xf32, #tpu.memory_space<hbm>>
    tpu.enqueue_indirect_dma source(%dma_start3A_15 : memref<1024x128xf32, #tpu.memory_space<hbm>>) target(%arg6 : memref<288x128xf32, #tpu.memory_space<vmem>>) offsets(%arg5 : memref<288xi32, #tpu.memory_space<vmem>>) semaphore(%arg7 : memref<!tpu.dma_semaphore, #tpu.memory_space<semaphore_mem>>)
    %dma_wait3A_16 = arith.constant 0 : i32
    %dma_wait3A_17 = arith.constant 0 : i32
    %dma_wait3A_18 = tpu.memref_slice %arg2[%dma_wait3A_16, %dma_wait3A_17] : memref<1024x128xf32, #tpu.memory_space<hbm>> -> memref<1024x128xf32, #tpu.memory_space<hbm>>
    tpu.wait_indirect_dma semaphore(%arg7 : memref<!tpu.dma_semaphore, #tpu.memory_space<semaphore_mem>>) src(%dma_wait3A_18 : memref<1024x128xf32, #tpu.memory_space<hbm>>) dst(%arg6 : memref<288x128xf32, #tpu.memory_space<vmem>>)
    "tpu.region"() ({
      %run_scoped3A = tpu.sem_alloc : memref<!tpu.dma_semaphore, #tpu.memory_space<semaphore_mem>>
      %dma_start3A_19 = arith.constant 0 : i32
      %dma_start3A_20 = tpu.memref_slice %arg4[%add3A_12, %dma_start3A_19] : memref<18432x128xf32, #tpu.memory_space<hbm>> -> memref<288x128xf32, #tpu.memory_space<hbm>>
      %dma_start3A_21 = arith.constant 0 : i32
      %dma_start3A_22 = tpu.memref_slice %arg4[%add3A_12, %dma_start3A_21] : memref<18432x128xf32, #tpu.memory_space<hbm>> -> memref<288x128xf32, #tpu.memory_space<hbm>>
      tpu.enqueue_dma source(%arg6 : memref<288x128xf32, #tpu.memory_space<vmem>>) target(%dma_start3A_22 : memref<288x128xf32, #tpu.memory_space<hbm>>) target_semaphore(%run_scoped3A : memref<!tpu.dma_semaphore, #tpu.memory_space<semaphore_mem>>)
      %dma_wait3A_23 = arith.constant 0 : i32
      %dma_wait3A_24 = tpu.memref_slice %arg4[%add3A_12, %dma_wait3A_23] : memref<18432x128xf32, #tpu.memory_space<hbm>> -> memref<288x128xf32, #tpu.memory_space<hbm>>
      %dma_wait3A_25 = arith.constant 0 : i32
      %dma_wait3A_26 = tpu.memref_slice %arg4[%add3A_12, %dma_wait3A_25] : memref<18432x128xf32, #tpu.memory_space<hbm>> -> memref<288x128xf32, #tpu.memory_space<hbm>>
      tpu.wait_dma2 semaphore(%run_scoped3A : memref<!tpu.dma_semaphore, #tpu.memory_space<semaphore_mem>>) src(%arg6 : memref<288x128xf32, #tpu.memory_space<vmem>>) dst(%dma_wait3A_26 : memref<288x128xf32, #tpu.memory_space<hbm>>)
      tpu.yield
    }) : () -> ()
    return
  }
}

#map = affine_map<(d0, d1) -> (0, 0)>
#map1 = affine_map<(d0, d1) -> (0)>
module attributes {stable_mosaic.version = 14 : i64} {
  func.func @gather_k(%arg0: i32, %arg1: i32, %arg2: memref<1024x128xf32, #tpu.memory_space<hbm>>, %arg3: memref<18432xi32, #tpu.memory_space<hbm>>, %arg4: memref<18432x128xf32, #tpu.memory_space<hbm>>, %arg5: memref<288xi32, #tpu.memory_space<vmem>>, %arg6: memref<288x128xf32, #tpu.memory_space<vmem>>, %arg7: memref<!tpu.dma_semaphore, #tpu.memory_space<semaphore_mem>>) attributes {dimension_semantics = [#tpu.dimension_semantics<core_parallel>, #tpu.dimension_semantics<subcore_parallel>], iteration_bounds = array<i64: 2, 16>, scalar_prefetch = 0 : i64, scratch_operands = 3 : i64, tpu.core_type = #tpu.core_type<sc_vector_subcore>, window_params = [{transform_indices = #map}, {transform_indices = #map1}, {transform_indices = #map}]} {
    %mul3A = arith.constant 2 : i32
    %mul3A_0 = arith.muli %arg1, %mul3A : i32
    %add3A = arith.addi %mul3A_0, %arg0 : i32
    %mul3A_1 = arith.constant 576 : i32
    %mul3A_2 = arith.muli %add3A, %mul3A_1 : i32
    %add3A_3 = arith.constant 0 : i32
    %add3A_4 = arith.addi %mul3A_2, %add3A_3 : i32
    "tpu.region"() ({
      %run_scoped3A = tpu.sem_alloc : memref<!tpu.dma_semaphore, #tpu.memory_space<semaphore_mem>>
      %dma_start3A_19 = tpu.memref_slice %arg3[%add3A_4] : memref<18432xi32, #tpu.memory_space<hbm>> -> memref<288xi32, #tpu.memory_space<hbm>>
      %dma_start3A_20 = tpu.memref_slice %arg3[%add3A_4] : memref<18432xi32, #tpu.memory_space<hbm>> -> memref<288xi32, #tpu.memory_space<hbm>>
      tpu.enqueue_dma source(%dma_start3A_20 : memref<288xi32, #tpu.memory_space<hbm>>) target(%arg5 : memref<288xi32, #tpu.memory_space<vmem>>) target_semaphore(%run_scoped3A : memref<!tpu.dma_semaphore, #tpu.memory_space<semaphore_mem>>)
      %dma_wait3A_21 = tpu.memref_slice %arg3[%add3A_4] : memref<18432xi32, #tpu.memory_space<hbm>> -> memref<288xi32, #tpu.memory_space<hbm>>
      %dma_wait3A_22 = tpu.memref_slice %arg3[%add3A_4] : memref<18432xi32, #tpu.memory_space<hbm>> -> memref<288xi32, #tpu.memory_space<hbm>>
      tpu.wait_dma2 semaphore(%run_scoped3A : memref<!tpu.dma_semaphore, #tpu.memory_space<semaphore_mem>>) src(%dma_wait3A_22 : memref<288xi32, #tpu.memory_space<hbm>>) dst(%arg5 : memref<288xi32, #tpu.memory_space<vmem>>)
      tpu.yield
    }) : () -> ()
    %dma_start3A = arith.constant 0 : i32
    %dma_start3A_5 = arith.constant 0 : i32
    %dma_start3A_6 = tpu.memref_slice %arg2[%dma_start3A, %dma_start3A_5] : memref<1024x128xf32, #tpu.memory_space<hbm>> -> memref<1024x128xf32, #tpu.memory_space<hbm>>
    tpu.enqueue_indirect_dma source(%dma_start3A_6 : memref<1024x128xf32, #tpu.memory_space<hbm>>) target(%arg6 : memref<288x128xf32, #tpu.memory_space<vmem>>) offsets(%arg5 : memref<288xi32, #tpu.memory_space<vmem>>) semaphore(%arg7 : memref<!tpu.dma_semaphore, #tpu.memory_space<semaphore_mem>>)
    %dma_wait3A = arith.constant 0 : i32
    %dma_wait3A_7 = arith.constant 0 : i32
    %dma_wait3A_8 = tpu.memref_slice %arg2[%dma_wait3A, %dma_wait3A_7] : memref<1024x128xf32, #tpu.memory_space<hbm>> -> memref<1024x128xf32, #tpu.memory_space<hbm>>
    tpu.wait_indirect_dma semaphore(%arg7 : memref<!tpu.dma_semaphore, #tpu.memory_space<semaphore_mem>>) src(%dma_wait3A_8 : memref<1024x128xf32, #tpu.memory_space<hbm>>) dst(%arg6 : memref<288x128xf32, #tpu.memory_space<vmem>>)
    "tpu.region"() ({
      %run_scoped3A = tpu.sem_alloc : memref<!tpu.dma_semaphore, #tpu.memory_space<semaphore_mem>>
      %dma_start3A_19 = arith.constant 0 : i32
      %dma_start3A_20 = tpu.memref_slice %arg4[%add3A_4, %dma_start3A_19] : memref<18432x128xf32, #tpu.memory_space<hbm>> -> memref<288x128xf32, #tpu.memory_space<hbm>>
      %dma_start3A_21 = arith.constant 0 : i32
      %dma_start3A_22 = tpu.memref_slice %arg4[%add3A_4, %dma_start3A_21] : memref<18432x128xf32, #tpu.memory_space<hbm>> -> memref<288x128xf32, #tpu.memory_space<hbm>>
      tpu.enqueue_dma source(%arg6 : memref<288x128xf32, #tpu.memory_space<vmem>>) target(%dma_start3A_22 : memref<288x128xf32, #tpu.memory_space<hbm>>) target_semaphore(%run_scoped3A : memref<!tpu.dma_semaphore, #tpu.memory_space<semaphore_mem>>)
      %dma_wait3A_23 = arith.constant 0 : i32
      %dma_wait3A_24 = tpu.memref_slice %arg4[%add3A_4, %dma_wait3A_23] : memref<18432x128xf32, #tpu.memory_space<hbm>> -> memref<288x128xf32, #tpu.memory_space<hbm>>
      %dma_wait3A_25 = arith.constant 0 : i32
      %dma_wait3A_26 = tpu.memref_slice %arg4[%add3A_4, %dma_wait3A_25] : memref<18432x128xf32, #tpu.memory_space<hbm>> -> memref<288x128xf32, #tpu.memory_space<hbm>>
      tpu.wait_dma2 semaphore(%run_scoped3A : memref<!tpu.dma_semaphore, #tpu.memory_space<semaphore_mem>>) src(%arg6 : memref<288x128xf32, #tpu.memory_space<vmem>>) dst(%dma_wait3A_26 : memref<288x128xf32, #tpu.memory_space<hbm>>)
      tpu.yield
    }) : () -> ()
    %mul3A_9 = arith.constant 576 : i32
    %mul3A_10 = arith.muli %add3A, %mul3A_9 : i32
    %add3A_11 = arith.constant 288 : i32
    %add3A_12 = arith.addi %mul3A_10, %add3A_11 : i32
    "tpu.region"() ({
      %run_scoped3A = tpu.sem_alloc : memref<!tpu.dma_semaphore, #tpu.memory_space<semaphore_mem>>
      %dma_start3A_19 = tpu.memref_slice %arg3[%add3A_12] : memref<18432xi32, #tpu.memory_space<hbm>> -> memref<288xi32, #tpu.memory_space<hbm>>
      %dma_start3A_20 = tpu.memref_slice %arg3[%add3A_12] : memref<18432xi32, #tpu.memory_space<hbm>> -> memref<288xi32, #tpu.memory_space<hbm>>
      tpu.enqueue_dma source(%dma_start3A_20 : memref<288xi32, #tpu.memory_space<hbm>>) target(%arg5 : memref<288xi32, #tpu.memory_space<vmem>>) target_semaphore(%run_scoped3A : memref<!tpu.dma_semaphore, #tpu.memory_space<semaphore_mem>>)
      %dma_wait3A_21 = tpu.memref_slice %arg3[%add3A_12] : memref<18432xi32, #tpu.memory_space<hbm>> -> memref<288xi32, #tpu.memory_space<hbm>>
      %dma_wait3A_22 = tpu.memref_slice %arg3[%add3A_12] : memref<18432xi32, #tpu.memory_space<hbm>> -> memref<288xi32, #tpu.memory_space<hbm>>
      tpu.wait_dma2 semaphore(%run_scoped3A : memref<!tpu.dma_semaphore, #tpu.memory_space<semaphore_mem>>) src(%dma_wait3A_22 : memref<288xi32, #tpu.memory_space<hbm>>) dst(%arg5 : memref<288xi32, #tpu.memory_space<vmem>>)
      tpu.yield
    }) : () -> ()
    %dma_start3A_13 = arith.constant 0 : i32
    %dma_start3A_14 = arith.constant 0 : i32
    %dma_start3A_15 = tpu.memref_slice %arg2[%dma_start3A_13, %dma_start3A_14] : memref<1024x128xf32, #tpu.memory_space<hbm>> -> memref<1024x128xf32, #tpu.memory_space<hbm>>
    tpu.enqueue_indirect_dma source(%dma_start3A_15 : memref<1024x128xf32, #tpu.memory_space<hbm>>) target(%arg6 : memref<288x128xf32, #tpu.memory_space<vmem>>) offsets(%arg5 : memref<288xi32, #tpu.memory_space<vmem>>) semaphore(%arg7 : memref<!tpu.dma_semaphore, #tpu.memory_space<semaphore_mem>>)
    %dma_wait3A_16 = arith.constant 0 : i32
    %dma_wait3A_17 = arith.constant 0 : i32
    %dma_wait3A_18 = tpu.memref_slice %arg2[%dma_wait3A_16, %dma_wait3A_17] : memref<1024x128xf32, #tpu.memory_space<hbm>> -> memref<1024x128xf32, #tpu.memory_space<hbm>>
    tpu.wait_indirect_dma semaphore(%arg7 : memref<!tpu.dma_semaphore, #tpu.memory_space<semaphore_mem>>) src(%dma_wait3A_18 : memref<1024x128xf32, #tpu.memory_space<hbm>>) dst(%arg6 : memref<288x128xf32, #tpu.memory_space<vmem>>)
    "tpu.region"() ({
      %run_scoped3A = tpu.sem_alloc : memref<!tpu.dma_semaphore, #tpu.memory_space<semaphore_mem>>
      %dma_start3A_19 = arith.constant 0 : i32
      %dma_start3A_20 = tpu.memref_slice %arg4[%add3A_12, %dma_start3A_19] : memref<18432x128xf32, #tpu.memory_space<hbm>> -> memref<288x128xf32, #tpu.memory_space<hbm>>
      %dma_start3A_21 = arith.constant 0 : i32
      %dma_start3A_22 = tpu.memref_slice %arg4[%add3A_12, %dma_start3A_21] : memref<18432x128xf32, #tpu.memory_space<hbm>> -> memref<288x128xf32, #tpu.memory_space<hbm>>
      tpu.enqueue_dma source(%arg6 : memref<288x128xf32, #tpu.memory_space<vmem>>) target(%dma_start3A_22 : memref<288x128xf32, #tpu.memory_space<hbm>>) target_semaphore(%run_scoped3A : memref<!tpu.dma_semaphore, #tpu.memory_space<semaphore_mem>>)
      %dma_wait3A_23 = arith.constant 0 : i32
      %dma_wait3A_24 = tpu.memref_slice %arg4[%add3A_12, %dma_wait3A_23] : memref<18432x128xf32, #tpu.memory_space<hbm>> -> memref<288x128xf32, #tpu.memory_space<hbm>>
      %dma_wait3A_25 = arith.constant 0 : i32
      %dma_wait3A_26 = tpu.memref_slice %arg4[%add3A_12, %dma_wait3A_25] : memref<18432x128xf32, #tpu.memory_space<hbm>> -> memref<288x128xf32, #tpu.memory_space<hbm>>
      tpu.wait_dma2 semaphore(%run_scoped3A : memref<!tpu.dma_semaphore, #tpu.memory_space<semaphore_mem>>) src(%arg6 : memref<288x128xf32, #tpu.memory_space<vmem>>) dst(%dma_wait3A_26 : memref<288x128xf32, #tpu.memory_space<hbm>>)
      tpu.yield
    }) : () -> ()
    return
  }
}

module attributes {stable_mosaic.version = 14 : i64} {
  func.func @_argmin_kernel(%arg0: i32, %arg1: memref<1024x64xf32, #tpu.memory_space<vmem>>, %arg2: memref<1024x64xf32, #tpu.memory_space<vmem>>, %arg3: memref<1024x1xf32, #tpu.memory_space<vmem>>, %arg4: memref<1x1024xf32, #tpu.memory_space<vmem>>, %arg5: memref<1024x1xi32, #tpu.memory_space<vmem>>, %arg6: memref<1x1x1xf32, #tpu.memory_space<vmem>>) attributes {dimension_semantics = [#tpu.dimension_semantics<parallel>], iteration_bounds = array<i64: 18>, scalar_prefetch = 0 : i64, scratch_operands = 0 : i64, tpu.core_type = #tpu.core_type<tc>, window_params = [{transform_indices = @transform_0, window_bounds = array<i64: 1024, 64>}, {pipeline_mode = #tpu.pipeline_mode<synchronous>, transform_indices = @transform_1, window_bounds = array<i64: 1024, 64>}, {transform_indices = @transform_2, window_bounds = array<i64: 1024, 1>}, {pipeline_mode = #tpu.pipeline_mode<synchronous>, transform_indices = @transform_3, window_bounds = array<i64: 1, 1024>}, {transform_indices = @transform_4, window_bounds = array<i64: 1024, 1>}, {transform_indices = @transform_5, window_bounds = array<i64: 1, 1, 1>}]} {
    %get3A = arith.constant 0 : index
    %get3A_0 = arith.constant 0 : index
    %get3A_1 = vector.load %arg1[%get3A, %get3A_0] : memref<1024x64xf32, #tpu.memory_space<vmem>>, vector<1024x64xf32>
    %get3A_2 = arith.constant 0 : index
    %get3A_3 = arith.constant 0 : index
    %get3A_4 = vector.load %arg2[%get3A_2, %get3A_3] : memref<1024x64xf32, #tpu.memory_space<vmem>>, vector<1024x64xf32>
    %get3A_5 = arith.constant 0 : index
    %get3A_6 = arith.constant 0 : index
    %get3A_7 = vector.load %arg3[%get3A_5, %get3A_6] : memref<1024x1xf32, #tpu.memory_space<vmem>>, vector<1024x1xf32>
    %get3A_8 = arith.constant 0 : index
    %get3A_9 = arith.constant 0 : index
    %get3A_10 = vector.load %arg4[%get3A_8, %get3A_9] : memref<1x1024xf32, #tpu.memory_space<vmem>>, vector<1x1024xf32>
    %mul3A = arith.constant -2.000000e+00 : f32
    %mul3A_11 = vector.broadcast %mul3A : f32 to vector<1024x64xf32>
    %mul3A_12 = arith.mulf %mul3A_11, %get3A_1 : vector<1024x64xf32>
    %dot_general3A = arith.constant dense<0.000000e+00> : vector<1024x1024xf32>
    %dot_general3A_13 = tpu.matmul %mul3A_12, %get3A_4, %dot_general3A {dimension_numbers = #tpu.dot_dimension_numbers<[1], [1], [0], [0], [0, 0, 1, 0], [], []>, transpose_lhs_hint = false} : vector<1024x64xf32>, vector<1024x64xf32>, vector<1024x1024xf32> -> vector<1024x1024xf32>
    %add3A = vector.broadcast %get3A_7 : vector<1024x1xf32> to vector<1024x1024xf32>
    %add3A_14 = vector.broadcast %get3A_10 : vector<1x1024xf32> to vector<1024x1024xf32>
    %add3A_15 = arith.addf %add3A, %add3A_14 : vector<1024x1024xf32>
    %add3A_16 = arith.addf %add3A_15, %dot_general3A_13 : vector<1024x1024xf32>
    %max3A = arith.constant 0.000000e+00 : f32
    %max3A_17 = vector.broadcast %max3A : f32 to vector<1024x1024xf32>
    %max3A_18 = arith.maximumf %add3A_16, %max3A_17 : vector<1024x1024xf32>
    %sqrt3A = math.sqrt %max3A_18 : vector<1024x1024xf32>
    %reduce_min3A = arith.constant dense<0x7F800000> : vector<1024xf32>
    %reduce_min3A_19 = vector.multi_reduction <minimumf>, %sqrt3A, %reduce_min3A [1] : vector<1024x1024xf32> to vector<1024xf32>
    %broadcast_in_dim3A = vector.shape_cast %reduce_min3A_19 : vector<1024xf32> to vector<1024x1xf32>
    %iota3A = tpu.iota {dimensions = array<i32: 1>} : vector<1024x1024xi32>
    %eq3A = vector.broadcast %broadcast_in_dim3A : vector<1024x1xf32> to vector<1024x1024xf32>
    %eq3A_20 = arith.cmpf oeq, %sqrt3A, %eq3A : vector<1024x1024xf32>
    %jit3A = arith.constant 1024 : i32
    %broadcast_in_dim3A_21 = vector.broadcast %jit3A : i32 to vector<1024x1024xi32>
    %select_n3A = arith.select %eq3A_20, %iota3A, %broadcast_in_dim3A_21 : vector<1024x1024xi1>, vector<1024x1024xi32>
    %reduce_min3A_22 = arith.constant dense<2147483647> : vector<1024xi32>
    %reduce_min3A_23 = vector.multi_reduction <minsi>, %select_n3A, %reduce_min3A_22 [1] : vector<1024x1024xi32> to vector<1024xi32>
    %broadcast_in_dim3A_24 = vector.shape_cast %reduce_min3A_23 : vector<1024xi32> to vector<1024x1xi32>
    %swap3A = arith.constant 0 : index
    %swap3A_25 = arith.constant 0 : index
    %swap3A_26 = vector.load %arg5[%swap3A, %swap3A_25] : memref<1024x1xi32, #tpu.memory_space<vmem>>, vector<1024x1xi32>
    tpu.vector_store %arg5[%swap3A, %swap3A_25], %broadcast_in_dim3A_24 {strides = array<i32>} : memref<1024x1xi32, #tpu.memory_space<vmem>>, vector<1024x1xi32>,
    %reduce_min3A_27 = arith.constant dense<0x7F800000> : vector<1024xf32>
    %reduce_min3A_28 = vector.multi_reduction <minimumf>, %max3A_18, %reduce_min3A_27 [1] : vector<1024x1024xf32> to vector<1024xf32>
    %reduce_sum3A = vector.shape_cast %reduce_min3A_28 : vector<1024xf32> to vector<1x1024xf32>
    %reduce_sum3A_29 = arith.constant dense<0.000000e+00> : vector<1xf32>
    %reduce_sum3A_30 = vector.multi_reduction <add>, %reduce_sum3A, %reduce_sum3A_29 [1] : vector<1x1024xf32> to vector<1xf32>
    %reduce_sum3A_31 = vector.shape_cast %reduce_sum3A_30 : vector<1xf32> to vector<1x1xf32>
    %reduce_sum3A_32 = vector.extract %reduce_sum3A_31[0, 0] : f32 from vector<1x1xf32>
    %reshape3A = vector.broadcast %reduce_sum3A_32 : f32 to vector<1x1x1xf32>
    %swap3A_33 = arith.constant 0 : index
    %swap3A_34 = arith.constant 0 : index
    %swap3A_35 = arith.constant 0 : index
    %swap3A_36 = vector.load %arg6[%swap3A_33, %swap3A_34, %swap3A_35] : memref<1x1x1xf32, #tpu.memory_space<vmem>>, vector<1x1x1xf32>
    tpu.vector_store %arg6[%swap3A_33, %swap3A_34, %swap3A_35], %reshape3A {strides = array<i32>} : memref<1x1x1xf32, #tpu.memory_space<vmem>>, vector<1x1x1xf32>,
    return
  }
  func.func @transform_0(%arg0: i32) -> (i32, i32) {
    %c0_i32 = arith.constant 0 : i32
    %c0_i32_0 = arith.constant 0 : i32
    return %arg0, %c0_i32 : i32, i32
  }
  func.func @transform_1(%arg0: i32) -> (i32, i32) {
    %c0_i32 = arith.constant 0 : i32
    %c0_i32_0 = arith.constant 0 : i32
    %c0_i32_1 = arith.constant 0 : i32
    return %c0_i32, %c0_i32_0 : i32, i32
  }
  func.func @transform_2(%arg0: i32) -> (i32, i32) {
    %c0_i32 = arith.constant 0 : i32
    %c0_i32_0 = arith.constant 0 : i32
    return %arg0, %c0_i32 : i32, i32
  }
  func.func @transform_3(%arg0: i32) -> (i32, i32) {
    %c0_i32 = arith.constant 0 : i32
    %c0_i32_0 = arith.constant 0 : i32
    %c0_i32_1 = arith.constant 0 : i32
    return %c0_i32, %c0_i32_0 : i32, i32
  }
  func.func @transform_4(%arg0: i32) -> (i32, i32) {
    %c0_i32 = arith.constant 0 : i32
    %c0_i32_0 = arith.constant 0 : i32
    return %arg0, %c0_i32 : i32, i32
  }
  func.func @transform_5(%arg0: i32) -> (i32, i32, i32) {
    %c0_i32 = arith.constant 0 : i32
    %c0_i32_0 = arith.constant 0 : i32
    %c0_i32_1 = arith.constant 0 : i32
    return %arg0, %c0_i32, %c0_i32_0 : i32, i32, i32
  }
}

module attributes {stable_mosaic.version = 14 : i64} {
  func.func @_st_kernel(%arg0: i32, %arg1: memref<2048x64xf32, #tpu.memory_space<vmem>>, %arg2: memref<2048x128xf32, #tpu.memory_space<vmem>>, %arg3: memref<2048x64xf32, #tpu.memory_space<vmem>>) attributes {dimension_semantics = [#tpu.dimension_semantics<parallel>], iteration_bounds = array<i64: 9>, scalar_prefetch = 0 : i64, scratch_operands = 0 : i64, tpu.core_type = #tpu.core_type<tc>, window_params = [{transform_indices = @transform_0, window_bounds = array<i64: 2048, 64>}, {transform_indices = @transform_1, window_bounds = array<i64: 2048, 128>}, {transform_indices = @transform_2, window_bounds = array<i64: 2048, 64>}]} {
    %get3A = arith.constant 0 : index
    %get3A_0 = arith.constant 0 : index
    %get3A_1 = vector.load %arg1[%get3A, %get3A_0] : memref<2048x64xf32, #tpu.memory_space<vmem>>, vector<2048x64xf32>
    %get3A_2 = arith.constant 0 : index
    %get3A_3 = arith.constant 0 : index
    %get3A_4 = vector.load %arg2[%get3A_2, %get3A_3] : memref<2048x128xf32, #tpu.memory_space<vmem>>, vector<2048x64xf32>
    %sub3A = arith.subf %get3A_4, %get3A_1 : vector<2048x64xf32>
    %add3A = arith.addf %get3A_1, %sub3A : vector<2048x64xf32>
    %swap3A = arith.constant 0 : index
    %swap3A_5 = arith.constant 0 : index
    %swap3A_6 = vector.load %arg3[%swap3A, %swap3A_5] : memref<2048x64xf32, #tpu.memory_space<vmem>>, vector<2048x64xf32>
    tpu.vector_store %arg3[%swap3A, %swap3A_5], %add3A {strides = array<i32>} : memref<2048x64xf32, #tpu.memory_space<vmem>>, vector<2048x64xf32>,
    return
  }
  func.func @transform_0(%arg0: i32) -> (i32, i32) {
    %c0_i32 = arith.constant 0 : i32
    %c0_i32_0 = arith.constant 0 : i32
    return %arg0, %c0_i32 : i32, i32
  }
  func.func @transform_1(%arg0: i32) -> (i32, i32) {
    %c0_i32 = arith.constant 0 : i32
    %c0_i32_0 = arith.constant 0 : i32
    return %arg0, %c0_i32 : i32, i32
  }
  func.func @transform_2(%arg0: i32) -> (i32, i32) {
    %c0_i32 = arith.constant 0 : i32
    %c0_i32_0 = arith.constant 0 : i32
    return %arg0, %c0_i32 : i32, i32
  }
}

</mosaic_0001>

<sc_bundles>
// kernel: kernel.11.cloned.1.call-start
scs
__scs_entry_jumppad:
0x0: {  	(pc) =	sbr.rel $0x88, $3  }
0x1: {  	(tag) =	ssettag $0x0;
	lr =	simm.s32 $0x1  }
0x2: {  	[smem:$0x3F9F] =	sst lr;
	_ =	strace $0xD0000000  }
0x3: {  	_ = 	snop  }
0x4: {  	_ = 	snop  }
0x5: {  	_ = 	snop  }
0x6: {  	_ = 	snop  }
0x7: {  	_ = 	snop  }
__scs_overlays_trampoline_lowered:
0x8: {  	[smem:$0x3FAE] =	sst s0  }
0x9: {  	[smem:$0x3FAF] =	sst s1  }
0xa: {  	[smem:$0x3FB0] =	sst s2  }
0xb: {  	[smem:$0x3FB1] =	sst s3  }
0xc: {  	[smem:$0x3FB2] =	sst s4  }
0xd: {  	[smem:$0x3FB3] =	sst s5  }
0xe: {  	[smem:$0x3FB4] =	sst s6  }
0xf: {  	[smem:$0x3FB5] =	sst s7  }
0x10: {  	[smem:$0x3FB6] =	sst s8  }
0x11: {  	[smem:$0x3FB7] =	sst s9;
	s0 =	simm.s32 @!p0 $0x0  }
0x12: {  	s1 =	sld [smem:$0x3F9D];
	s0 =	simm.s32 @p0 $0x1  }
0x13: {  	[smem:$0x3FB8] =	sst s0;
	s0 =	simm.s32 @!p1 $0x0  }
0x14: {  	s2 =	sld [smem:$0x3F9C];
	s0 =	simm.s32 @p1 $0x1  }
0x15: {  	[smem:$0x3FB9] =	sst s0;
	s0 =	simm.s32 @!p2 $0x0  }
0x16: {  	s3 =	sld [smem:$0x3FDB];
	s0 =	simm.s32 @p2 $0x1  }
0x17: {  	s4 =	simm.s32 $0x1BF5;
	[smem:$0x3FBB] =	sst s0  }
0x18: {  	s0 =	sld [smem:$0x3F9E];
	_ =	swait.ge [sflag:s4], $0x0  }
0x19: {  	s7 =	sld [smem:$0x3F9F]  }
0x1a: {  	s8 =	sadd.s32 $0xFFFFE003, lr  }
0x1b: {  	s9 =	sadd.s32 $0xFFFFFEF7, lr;
	s5 =	simm.s32 $0xFFFFFFFF;
	p2 =	slt.u32 s8, $0xFFFFF086  }
0x1c: {  	p1 =	slt.u32 s9, $0xF7A;
	s5 =	simm.s32 @!p2 $0x0  }
0x1d: {  	s5 =	simm.s32 @p1 $0x1;
	p0 =	seq.s32 s7, s2  }
0x1e: {  	s7 =	smul.u32 @!p0 $0xF7A, s2;
	p2 =	seq.s32 @!p0 s5, $0x0  }
0x1f: {  	s9 =	smul.u32 $0xF7A, s1;
	s8 =	simm.s32 @!p0 $0x1BF5;
	p2 =	por !p2, p0  }
0x20: {  	[sflag:s8] =	ssyncset.s32 @!p0 $0xFFFFF086;
	s6 =	sadd.s32 @!p0 s3, s7;
	s7 =	simm.s32 @!p0 $0x108  }
0x21: {  	s3 =	sadd.s32 s3, s9;
	s6 =	sadd.s32 @!p0 $0x88, s6;
	s7 =	simm.s32 @p2 $0x1082  }
0x22: {  	[simem:s7], [sflag:s8] =	dma.local @!p0 [hbm:s6], $0xF7A  }
0x23: {  	s9 =	sor.u32 $0xD0000000, s2;
	s6 =	simm.s32 $0x108;
	_ =	swait.ge @!p0 [sflag:s8], $0x0  }
0x24: {  	s3 =	sadd.s32 $0x88, s3;
	s6 =	simm.s32 @!p1 $0x1082;
	[sflag:s4] =	ssyncset.s32 $0xFFFFF086  }
0x25: {  	[simem:s6], [sflag:s4] =	dma.local [hbm:s3], $0xF7A  }
0x26: {  	[smem:$0x3F9F] =	sst s1;
	(tag) =	ssettag s2;
	_ =	strace s9  }
0x27: {  	s1 =	sld [smem:$0x3FAF]  }
0x28: {  	s2 =	sld [smem:$0x3FB0]  }
0x29: {  	s4 =	sld [smem:$0x3FB2]  }
0x2a: {  	p0 =	seq.s32 s5, $0x0;
	s5 =	sld [smem:$0x3FB3]  }
0x2b: {  	s6 =	sld [smem:$0x3FB4]  }
0x2c: {  	s7 =	sld [smem:$0x3FB5]  }
0x2d: {  	s3 =	simm.s32 $0x108;
	s8 =	sld [smem:$0x3FB6]  }
0x2e: {  	s3 =	simm.s32 @!p0 $0x1082;
	s9 =	sld [smem:$0x3FB7]  }
0x2f: {  	lr =	sadd.s32 s0, s3;
	s0 =	sld [smem:$0x3FAE]  }
0x30: {  	s3 =	sld [smem:$0x3FB1]  }
0x31: {  	[smem:$0x3FBA] =	sst s10  }
0x32: {  	s10 =	sld [smem:$0x3FB8];
	_ =	sdelay $0x3  }
0x33: {  	p0 =	seq.s32 s10, $0x1;
	s10 =	sld [smem:$0x3FBA];
	_ =	sdelay $0x3  }
0x34: {  	[smem:$0x3FBA] =	sst s10  }
0x35: {  	s10 =	sld [smem:$0x3FB9];
	_ =	sdelay $0x3  }
0x36: {  	p1 =	seq.s32 s10, $0x1;
	s10 =	sld [smem:$0x3FBA];
	_ =	sdelay $0x3  }
0x37: {  	[smem:$0x3FBA] =	sst s10  }
0x38: {  	s10 =	sld [smem:$0x3FBB]  }
0x39: {  	_ = 	snop;
	(pc) =	sbr.ind lr, $3  }
0x3a: {  	_ = 	snop  }
0x3b: {  	_ = 	snop  }
0x3c: {  	p2 =	seq.s32 s10, $0x1;
	s10 =	sld [smem:$0x3FBA]  }
0x3d: {  	_ =	shalt  }
0x3e: {  	_ =	shalt  }
0x3f: {  	_ =	shalt  }
0x40: {  	_ =	shalt  }
0x41: {  	_ =	shalt  }
0x42: {  	_ =	shalt  }
0x43: {  	_ =	shalt  }
0x44: {  	_ =	shalt  }
0x45: {  	_ =	shalt  }
0x46: {  	_ =	shalt  }
0x47: {  	_ =	shalt  }
0x48: {  	_ =	shalt  }
0x49: {  	_ =	shalt  }
0x4a: {  	_ =	shalt  }
0x4b: {  	_ =	shalt  }
0x4c: {  	_ =	shalt  }
0x4d: {  	_ =	shalt  }
0x4e: {  	_ =	shalt  }
0x4f: {  	_ =	shalt  }
0x50: {  	_ =	shalt  }
0x51: {  	_ =	shalt  }
0x52: {  	_ =	shalt  }
0x53: {  	_ =	shalt  }
0x54: {  	_ =	shalt  }
0x55: {  	_ =	shalt  }
0x56: {  	_ =	shalt  }
0x57: {  	_ =	shalt  }
0x58: {  	_ =	shalt  }
0x59: {  	_ =	shalt  }
0x5a: {  	_ =	shalt  }
0x5b: {  	_ =	shalt  }
0x5c: {  	_ =	shalt  }
0x5d: {  	_ =	shalt  }
0x5e: {  	_ =	shalt  }
0x5f: {  	_ =	shalt  }
0x60: {  	_ =	shalt  }
0x61: {  	_ =	shalt  }
0x62: {  	_ =	shalt  }
0x63: {  	_ =	shalt  }
0x64: {  	_ =	shalt  }
0x65: {  	_ =	shalt  }
0x66: {  	_ =	shalt  }
0x67: {  	_ =	shalt  }
0x68: {  	_ =	shalt  }
0x69: {  	_ =	shalt  }
0x6a: {  	_ =	shalt  }
0x6b: {  	_ =	shalt  }
0x6c: {  	_ =	shalt  }
0x6d: {  	_ =	shalt  }
0x6e: {  	_ =	shalt  }
0x6f: {  	_ =	shalt  }
0x70: {  	_ =	shalt  }
0x71: {  	_ =	shalt  }
0x72: {  	_ =	shalt  }
0x73: {  	_ =	shalt  }
0x74: {  	_ =	shalt  }
0x75: {  	_ =	shalt  }
0x76: {  	_ =	shalt  }
0x77: {  	_ =	shalt  }
0x78: {  	_ =	shalt  }
0x79: {  	_ =	shalt  }
0x7a: {  	_ =	shalt  }
0x7b: {  	_ =	shalt  }
0x7c: {  	_ =	shalt  }
0x7d: {  	_ =	shalt  }
0x7e: {  	_ =	shalt  }
0x7f: {  	_ =	shalt  }
0x80: {  	_ =	shalt  }
0x81: {  	_ =	shalt  }
0x82: {  	_ =	shalt  }
0x83: {  	_ =	shalt  }
0x84: {  	_ =	shalt  }
0x85: {  	_ =	shalt  }
0x86: {  	_ =	shalt  }
0x87: {  	_ =	shalt  }
.Lfunc_end0:
.L_simem_size_0:
called_computation.1_lowered:
.L_overlay_start_0:
0x88: {  	s2 =	sld [smem:$0x3FD9]  }
0x89: {  	s3 =	sld [smem:$0x3FFE];
	_ =	sdelay $0x1  }
0x8a: {  	s1 =	srdreg.scid  }
0x8b: {  	s0 =	sand.u32 $0x1, s1  }
0x8c: {  	s17 =	sshll.u32 s0, $0xA;
	s2 =	sadd.s32 s3, s2  }
0x8d: {  	s2 =	sadd.s32 s2, s17  }
0x8e: {  	[smem:$0x3FC6] =	sst s2  }
0x8f: {  	_ = 	snop  }
0x90: {  	(tm) =	ssettm $0x1  }
0x91: {  	s18 =	sld [smem:$0x3FFB];
	_ =	sdelay $0x3  }
0x92: {  	_ =	strace s18  }
0x93: {  	s2 =	sld [smem:$0x3FFC];
	_ =	sdelay $0x3  }
0x94: {  	_ =	strace s2  }
0x95: {  	s2 =	sld [smem:$0x3FFD];
	_ =	sdelay $0x3  }
0x96: {  	_ =	strace s2  }
0x97: {  	_ =	strace $0x8FFFFFFF  }
0x98: {  	s19 =	sld [smem:$0x3FDB];
	_ =	sdelay $0x1  }
0x99: {  	s20 =	simm.s32 $_scs_section_size  }
0x9a: {  	s4 =	simm.s32 $_size__tile_overlayer_lowered;
	s5 =	simm.s32 $_tile_overlayer_lowered  }
0x9b: {  	s6 =	simm.s32 $0x1BFF;
	s21 =	sshll.u32 s5, $0x1;
	s3 =	sadd.s32 s20, s19  }
0x9c: {  	s22 =	simm.s32 $0x0;
	s4 =	sshll.u32 s4, $0x1;
	s5 =	sadd.s32 s21, s3  }
0x9d: {  	[timem:s22], [sflag:s6] =	dma.local [hbm:s5], s4  }
0x9e: {  	_ =	swait.ge [sflag:s6], s4  }
0x9f: {  	s4 =	ssub.s32 $0x0, s4;
	[sflag:s6] =	ssyncset.done $0x0  }
0xa0: {  	[sflag:s6] =	ssyncadd.s32 s4;
	_ =	sdelay $0x1  }
0xa1: {  	s23 =	simm.s32 $0x1B8B  }
0xa2: {  	_ =	swait.ge [sflag:s23], $0x1  }
0xa3: {  	[sflag:s23] =	ssyncset.done $0x0  }
0xa4: {  	[sflag:s23] =	ssyncadd.s32 $0xFFFFFFFF  }
0xa5: {  	s4 =	sld [smem:$0x0]  }
0xa6: {  	s5 =	sand.u32 $0xFFFFFFFE, s1  }
0xa7: {  	p0 =	sne.s32 s1, s5  }
0xa8: {  	s5 =	sshll.u32 @p0 s5, $0xE  }
0xa9: {  	s5 =	sadd.s32 @p0 $0x11B8D, s5;
	s6 =	sshll.u32 @p0 s4, $0x11  }
0xaa: {  	s5 =	sor.u32 @p0 s6, s5  }
0xab: {  	[sflag:s5] =	ssyncadd.remote.s32 @p0 $0x1;
	_ =	sdelay $0x1  }
0xac: {  	s5 =	simm.s32 @p0 $0x1B8D  }
0xad: {  	_ =	swait.eq @p0 [sflag:s5], $0x1  }
0xae: {  	[sflag:s5] =	ssyncadd.s32 @p0 $0xFFFFFFFF  }
0xaf: {  	s6 =	sshll.u32 @!p0 s1, $0xE  }
0xb0: {  	s6 =	sor.u32 @!p0 $0x4000, s6;
	s5 =	simm.s32 @!p0 $0x1B8D  }
0xb1: {  	s4 =	sshll.u32 @!p0 s4, $0x11;
	s6 =	sadd.s32 @!p0 $0x11B8D, s6;
	_ =	swait.eq @!p0 [sflag:s5], $0x1  }
0xb2: {  	s4 =	sor.u32 @!p0 s4, s6;
	[sflag:s5] =	ssyncadd.s32 @!p0 $0xFFFFFFFF  }
0xb3: {  	s25 =	simm.s32 $0x1B8E;
	s24 =	sld [smem:$0x3FFE];
	[sflag:s4] =	ssyncadd.remote.s32 @!p0 $0x1  }
0xb4: {  	s26 =	simm.s32 $execute0_lowered;
	[smem:$0x3FD2] =	sst s25  }
0xb5: {  	s5 =	sshll.u32 s26, $0x1;
	_ =	strace $0x80000049;
	[dreg:$0x1] =	wrdreg $0xFFFFFFFF  }
0xb6: {  	s28 =	simm.s32 $_size_execute0_lowered;
	s3 =	sadd.s32 s3, s5;
	[dreg:$0x0] =	wrdreg $0x0  }
0xb7: {  	s5 =	sshll.u32 s28, $0x1;
	[dreg:$0x2] =	wrdreg s3  }
0xb8: {  	[dreg:$0x3] =	wrdreg s5  }
0xb9: {  	[dreg:$0x4] =	wrdreg $0xC0  }
0xba: {  	_ =	task [dreg:s22], $0x5FFFF  }
0xbb: {  	[dreg:$0x1] =	wrdreg $0xFFFFFFFF  }
0xbc: {  	[dreg:$0x0] =	wrdreg $0x60  }
0xbd: {  	[dreg:$0x2] =	wrdreg s24  }
0xbe: {  	[dreg:$0x3] =	wrdreg $0xA  }
0xbf: {  	_ =	task.clear_ibuf [dreg:s22], $0x4FFFF;
	_ =	strace $0x90000049  }
0xc0: {  	s29 =	simm.s32 $0xA;
	_ =	strace $0x8000004B  }
0xc1: {  	_ =	swait.ge [sflag:s29], $0x1  }
0xc2: {  	[sflag:s29] =	ssyncadd.s32 $0xFFFFFFFF  }
0xc3: {  	_ =	strace $0x9000004B  }
0xc4: {  	_ =	sfence  }
0xc5: {  	s30 =	sld [smem:$0x0];
	_ =	sdelay $0x2  }
0xc6: {  	s31 =	sshll.u32 s1, $0xD;
	s1 =	sshrl.u32 s1, $0x2  }
0xc7: {  	s4 =	sand.u32 $0x4000, s31;
	s1 =	sadd.s32 s1, s30  }
0xc8: {  	s0 =	sor.u32 s4, s0;
	s1 =	sshll.u32 s1, $0x11  }
0xc9: {  	s0 =	sor.u32 s1, s0  }
0xca: {  	s0 =	sadd.s32 $0x8F2B, s0  }
0xcb: {  	[sflag:s0] =	ssyncadd.remote.s32 $0x1  }
0xcc: {  	_ =	sfence.sel $0xFFFF  }
0xcd: {  	[dreg:$0x0] =	wrdreg $0xFFFFFFFF;
	(pc) =	sbr.abs _section_cstart, $3  }
0xce: {  	[dreg:$0x1] =	wrdreg $0xFFFFFFFF  }
0xcf: {  	_ =	task.clear_ibuf [dreg:s22], $0x2FFFF;
	_ =	strace $0x9FFFFFFF  }
0xd0: {  	(tm) =	ssettm $0x7FFFFFFF  }
0xd1: {  	_ =	shalt  }
tec
execute0_lowered:
.L_overlay_start_1:
0x0: {  	(tag) =	ssettag $0x1  }
0x1: {  	s1 =	srdreg.scid;
	s0 =	stileid.u32  }
0x2: {  	s11 =	sand.u32 $0x1, s1;
	s26 =	sshll.u32 s0, $0x1  }
0x3: {  	s9 =	sor.u32 s11, s26  }
0x4: {  	s10 =	rddreg [dreg:$0x0];
	s12 =	smul.u32 $0x240, s9  }
0x5: {  	s2 =	simm.s32 $0x0;
	s1 =	rddreg [dreg:$0x1]  }
0x6: {  	[smem:$0x7FF] =	sst s2;
	s13 =	sadd.s32 $0x4CC00, s10;
	s3 =	sshrl.u32 s12, $0x3  }
0x7: {  	_ =	strace $0x8000004A;
	s4 =	sadd.s32 s13, s3;
	s3 =	simm.s32 $0x2  }
0x8: {  	[tilespmem:s2], [sflag:$0x2] =	stream.linear.gather [hbm4b:s4+s2], $0x120, $0x38;
	[tilespmem:$0x9180] =	vst v63  }
0x9: {  	_ =	swait.ge [sflag:s3], $0x120  }
0xa: {  	s6 =	simm.s32 $0x120;
	s7 =	simm.s32 $0x180;
	[sflag:s3] =	ssyncset.done $0x0  }
0xb: {  	s8 =	simm.s32 $0x1;
	s5 =	sadd.s32 $0x200, s10;
	[sflag:s3] =	ssyncadd.s32 $0xFFFFFEE0  }
0xc: {  	[tilespmem:s7], [sflag:$0x1] =	stream.indirect.gather [hbm4b:s5+s6], $0x80, s2, s6, $0xb8;
	[tilespmem:$0x9180] =	vst v63  }
0xd: {  	s9 =	smul.u32 $0x2400, s9;
	_ =	swait.ge [sflag:s8], $0x9000  }
0xe: {  	s14 =	sadd.s32 $0x4D600, s10;
	[sflag:s8] =	ssyncset.done $0x0  }
0xf: {  	s9 =	sadd.s32 s14, s9;
	[sflag:s8] =	ssyncadd.s32 $0xFFFF7000  }
0x10: {  	[hbm4b:s9+s2] =	stream.linear.scatter [tilespmem:s7], [sflag:$0x2], $0x9000, $0x38;
	[tilespmem:$0x9180] =	vst v63  }
0x11: {  	s12 =	sadd.s32 $0x120, s12;
	_ =	swait.ge [sflag:s3], $0x9000  }
0x12: {  	s28 =	sshrl.u32 s12, $0x3;
	[sflag:s3] =	ssyncset.done $0x0  }
0x13: {  	s11 =	ssub.s32 $0x2, s11;
	s10 =	sadd.s32 s13, s28;
	[sflag:s3] =	ssyncadd.s32 $0xFFFF7000  }
0x14: {  	[tilespmem:s2], [sflag:$0x2] =	stream.linear.gather [hbm4b:s10+s2], $0x120, $0x38;
	[tilespmem:$0x9180] =	vst v63  }
0x15: {  	s29 =	sshrl.u32 s11, $0x1;
	_ =	swait.ge [sflag:s3], $0x120  }
0x16: {  	s13 =	ssub.s32 s11, s29;
	[sflag:s3] =	ssyncset.done $0x0  }
0x17: {  	s31 =	smax.u32 s13, $0x1;
	[sflag:s3] =	ssyncadd.s32 $0xFFFFFEE0  }
0x18: {  	[tilespmem:s7], [sflag:$0x1] =	stream.indirect.gather [hbm4b:s5+s6], $0x80, s2, s6, $0xb8;
	[tilespmem:$0x9180] =	vst v63  }
0x19: {  	p0 =	sne.s32 s31, $0x1;
	_ =	swait.ge [sflag:s8], $0x9000  }
.Ltmp0:
0x1a: {  	s30 =	sshll.u32 s12, $0x4;
	[sflag:s8] =	ssyncset.done $0x0;
	(pc) =	sbr.rel @!p0 .LBB2_2-.Ltmp0, $4  }
0x1b: {  	s11 =	sadd.s32 s14, s30;
	[sflag:s8] =	ssyncadd.s32 $0xFFFF7000  }
0x1c: {  	[hbm4b:s11+s2] =	stream.linear.scatter [tilespmem:s7], [sflag:$0x2], $0x9000, $0x38;
	[tilespmem:$0x9180] =	vst v63  }
0x1d: {  	_ =	swait.ge [sflag:s3], $0x9000  }
0x1e: {  	s12 =	sadd.s32 $0xFFFFFFFF, s31;
	[sflag:s3] =	ssyncset.done $0x0  }
.LBB2_1:
0x1f: {  	p0 =	sne.s32 s12, $0x1;
	s12 =	sadd.s32 $0xFFFFFFFF, s12;
	[sflag:s3] =	ssyncadd.s32 $0xFFFF7000  }
0x20: {  	[tilespmem:s2], [sflag:$0x2] =	stream.linear.gather [hbm4b:s4+s2], $0x120, $0x38;
	[tilespmem:$0x9180] =	vst v63  }
0x21: {  	_ =	swait.ge [sflag:s3], $0x120  }
0x22: {  	[sflag:s3] =	ssyncset.done $0x0  }
0x23: {  	[sflag:s3] =	ssyncadd.s32 $0xFFFFFEE0  }
0x24: {  	[tilespmem:s7], [sflag:$0x1] =	stream.indirect.gather [hbm4b:s5+s6], $0x80, s2, s6, $0xb8;
	[tilespmem:$0x9180] =	vst v63  }
0x25: {  	_ =	swait.ge [sflag:s8], $0x9000  }
0x26: {  	[sflag:s8] =	ssyncset.done $0x0  }
0x27: {  	[sflag:s8] =	ssyncadd.s32 $0xFFFF7000  }
0x28: {  	[hbm4b:s9+s2] =	stream.linear.scatter [tilespmem:s7], [sflag:$0x2], $0x9000, $0x38;
	[tilespmem:$0x9180] =	vst v63  }
0x29: {  	_ =	swait.ge [sflag:s3], $0x9000  }
0x2a: {  	[sflag:s3] =	ssyncset.done $0x0  }
0x2b: {  	[sflag:s3] =	ssyncadd.s32 $0xFFFF7000  }
0x2c: {  	[tilespmem:s2], [sflag:$0x2] =	stream.linear.gather [hbm4b:s10+s2], $0x120, $0x38;
	[tilespmem:$0x9180] =	vst v63  }
0x2d: {  	_ =	swait.ge [sflag:s3], $0x120  }
0x2e: {  	[sflag:s3] =	ssyncset.done $0x0  }
0x2f: {  	[sflag:s3] =	ssyncadd.s32 $0xFFFFFEE0  }
0x30: {  	[tilespmem:s7], [sflag:$0x1] =	stream.indirect.gather [hbm4b:s5+s6], $0x80, s2, s6, $0xb8;
	[tilespmem:$0x9180] =	vst v63  }
0x31: {  	_ =	swait.ge [sflag:s8], $0x9000  }
.Ltmp1:
0x32: {  	[sflag:s8] =	ssyncset.done $0x0;
	(pc) =	sbr.rel @p0 .LBB2_1-.Ltmp1, $4  }
0x33: {  	[sflag:s8] =	ssyncadd.s32 $0xFFFF7000  }
0x34: {  	[hbm4b:s11+s2] =	stream.linear.scatter [tilespmem:s7], [sflag:$0x2], $0x9000, $0x38;
	[tilespmem:$0x9180] =	vst v63  }
0x35: {  	_ =	swait.ge [sflag:s3], $0x9000  }
0x36: {  	[sflag:s3] =	ssyncset.done $0x0  }
.LBB2_2:
0x37: {  	[sflag:s3] =	ssyncadd.s32 $0xFFFF7000  }
0x38: {  	_ =	sfence.sel $0x180000  }
0x39: {  	[bflag:$0x0] =	sbarrier.arrive $0xFFFF  }
0x3a: {  	p0 =	sne.s32 s0, $0x0;
	_ =	strace $0x9000004A  }
0x3b: {  	s0 =	sadd.s32 @!p0 $0x100000, s1;
	[bflag:$0x2] =	sbarrier.arrive $0xFFFF  }
0x3c: {  	[sflag:s0] =	ssyncadd.tile.s32 @!p0 $0x1;
	_ =	shalt  }
.Lfunc_end2:
_tile_overlayer_lowered:
.L_overlay_start_2:
0x3d: {  	(tag) =	ssettag $0x2  }
0x3e: {  	s0 =	rddreg [dreg:$0x0];
	s2 =	stileid.u32  }
0x3f: {  	s1 =	rddreg [dreg:$0x1];
	p0 =	sne.s32 s2, $0x0  }
0x40: {  	s3 =	rddreg [dreg:$0x2];
	[bflag:$0x3] =	sbarrier.arrive $0xFFFF;
	s2 =	simm.s32 @!p0 $0x1C02  }
0x41: {  	[timem:s3], [sflag:s2] =	dma.local @!p0 [hbm:s0], s1  }
0x42: {  	s0 =	simm.s32 @!p0 $0x2  }
0x43: {  	_ =	swait.ge @!p0 [sflag:s0], s1  }
0x44: {  	s1 =	ssub.s32 @!p0 $0x0, s1;
	[sflag:s0] =	ssyncset.done @!p0 $0x0  }
0x45: {  	[sflag:s0] =	ssyncadd.s32 @!p0 s1  }
0x46: {  	[bflag:$0x3] =	sbarrier.arrive $0xFFFF  }
0x47: {  	_ =	shalt  }

// kernel: kernel.8.cloned.1.call-start
scs
__scs_entry_jumppad:
0x0: {  	(pc) =	sbr.rel $0x88, $3  }
0x1: {  	(tag) =	ssettag $0x0;
	lr =	simm.s32 $0x1  }
0x2: {  	[smem:$0x3F9F] =	sst lr;
	_ =	strace $0xD0000000  }
0x3: {  	_ = 	snop  }
0x4: {  	_ = 	snop  }
0x5: {  	_ = 	snop  }
0x6: {  	_ = 	snop  }
0x7: {  	_ = 	snop  }
__scs_overlays_trampoline_lowered:
0x8: {  	[smem:$0x3FAE] =	sst s0  }
0x9: {  	[smem:$0x3FAF] =	sst s1  }
0xa: {  	[smem:$0x3FB0] =	sst s2  }
0xb: {  	[smem:$0x3FB1] =	sst s3  }
0xc: {  	[smem:$0x3FB2] =	sst s4  }
0xd: {  	[smem:$0x3FB3] =	sst s5  }
0xe: {  	[smem:$0x3FB4] =	sst s6  }
0xf: {  	[smem:$0x3FB5] =	sst s7  }
0x10: {  	[smem:$0x3FB6] =	sst s8  }
0x11: {  	[smem:$0x3FB7] =	sst s9;
	s0 =	simm.s32 @!p0 $0x0  }
0x12: {  	s1 =	sld [smem:$0x3F9D];
	s0 =	simm.s32 @p0 $0x1  }
0x13: {  	[smem:$0x3FB8] =	sst s0;
	s0 =	simm.s32 @!p1 $0x0  }
0x14: {  	s2 =	sld [smem:$0x3F9C];
	s0 =	simm.s32 @p1 $0x1  }
0x15: {  	[smem:$0x3FB9] =	sst s0;
	s0 =	simm.s32 @!p2 $0x0  }
0x16: {  	s3 =	sld [smem:$0x3FDB];
	s0 =	simm.s32 @p2 $0x1  }
0x17: {  	s4 =	simm.s32 $0x1BF5;
	[smem:$0x3FBB] =	sst s0  }
0x18: {  	s0 =	sld [smem:$0x3F9E];
	_ =	swait.ge [sflag:s4], $0x0  }
0x19: {  	s7 =	sld [smem:$0x3F9F]  }
0x1a: {  	s8 =	sadd.s32 $0xFFFFE003, lr  }
0x1b: {  	s9 =	sadd.s32 $0xFFFFFEF7, lr;
	s5 =	simm.s32 $0xFFFFFFFF;
	p2 =	slt.u32 s8, $0xFFFFF086  }
0x1c: {  	p1 =	slt.u32 s9, $0xF7A;
	s5 =	simm.s32 @!p2 $0x0  }
0x1d: {  	s5 =	simm.s32 @p1 $0x1;
	p0 =	seq.s32 s7, s2  }
0x1e: {  	s7 =	smul.u32 @!p0 $0xF7A, s2;
	p2 =	seq.s32 @!p0 s5, $0x0  }
0x1f: {  	s9 =	smul.u32 $0xF7A, s1;
	s8 =	simm.s32 @!p0 $0x1BF5;
	p2 =	por !p2, p0  }
0x20: {  	[sflag:s8] =	ssyncset.s32 @!p0 $0xFFFFF086;
	s6 =	sadd.s32 @!p0 s3, s7;
	s7 =	simm.s32 @!p0 $0x108  }
0x21: {  	s3 =	sadd.s32 s3, s9;
	s6 =	sadd.s32 @!p0 $0x88, s6;
	s7 =	simm.s32 @p2 $0x1082  }
0x22: {  	[simem:s7], [sflag:s8] =	dma.local @!p0 [hbm:s6], $0xF7A  }
0x23: {  	s9 =	sor.u32 $0xD0000000, s2;
	s6 =	simm.s32 $0x108;
	_ =	swait.ge @!p0 [sflag:s8], $0x0  }
0x24: {  	s3 =	sadd.s32 $0x88, s3;
	s6 =	simm.s32 @!p1 $0x1082;
	[sflag:s4] =	ssyncset.s32 $0xFFFFF086  }
0x25: {  	[simem:s6], [sflag:s4] =	dma.local [hbm:s3], $0xF7A  }
0x26: {  	[smem:$0x3F9F] =	sst s1;
	(tag) =	ssettag s2;
	_ =	strace s9  }
0x27: {  	s1 =	sld [smem:$0x3FAF]  }
0x28: {  	s2 =	sld [smem:$0x3FB0]  }
0x29: {  	s4 =	sld [smem:$0x3FB2]  }
0x2a: {  	p0 =	seq.s32 s5, $0x0;
	s5 =	sld [smem:$0x3FB3]  }
0x2b: {  	s6 =	sld [smem:$0x3FB4]  }
0x2c: {  	s7 =	sld [smem:$0x3FB5]  }
0x2d: {  	s3 =	simm.s32 $0x108;
	s8 =	sld [smem:$0x3FB6]  }
0x2e: {  	s3 =	simm.s32 @!p0 $0x1082;
	s9 =	sld [smem:$0x3FB7]  }
0x2f: {  	lr =	sadd.s32 s0, s3;
	s0 =	sld [smem:$0x3FAE]  }
0x30: {  	s3 =	sld [smem:$0x3FB1]  }
0x31: {  	[smem:$0x3FBA] =	sst s10  }
0x32: {  	s10 =	sld [smem:$0x3FB8];
	_ =	sdelay $0x3  }
0x33: {  	p0 =	seq.s32 s10, $0x1;
	s10 =	sld [smem:$0x3FBA];
	_ =	sdelay $0x3  }
0x34: {  	[smem:$0x3FBA] =	sst s10  }
0x35: {  	s10 =	sld [smem:$0x3FB9];
	_ =	sdelay $0x3  }
0x36: {  	p1 =	seq.s32 s10, $0x1;
	s10 =	sld [smem:$0x3FBA];
	_ =	sdelay $0x3  }
0x37: {  	[smem:$0x3FBA] =	sst s10  }
0x38: {  	s10 =	sld [smem:$0x3FBB]  }
0x39: {  	_ = 	snop;
	(pc) =	sbr.ind lr, $3  }
0x3a: {  	_ = 	snop  }
0x3b: {  	_ = 	snop  }
0x3c: {  	p2 =	seq.s32 s10, $0x1;
	s10 =	sld [smem:$0x3FBA]  }
0x3d: {  	_ =	shalt  }
0x3e: {  	_ =	shalt  }
0x3f: {  	_ =	shalt  }
0x40: {  	_ =	shalt  }
0x41: {  	_ =	shalt  }
0x42: {  	_ =	shalt  }
0x43: {  	_ =	shalt  }
0x44: {  	_ =	shalt  }
0x45: {  	_ =	shalt  }
0x46: {  	_ =	shalt  }
0x47: {  	_ =	shalt  }
0x48: {  	_ =	shalt  }
0x49: {  	_ =	shalt  }
0x4a: {  	_ =	shalt  }
0x4b: {  	_ =	shalt  }
0x4c: {  	_ =	shalt  }
0x4d: {  	_ =	shalt  }
0x4e: {  	_ =	shalt  }
0x4f: {  	_ =	shalt  }
0x50: {  	_ =	shalt  }
0x51: {  	_ =	shalt  }
0x52: {  	_ =	shalt  }
0x53: {  	_ =	shalt  }
0x54: {  	_ =	shalt  }
0x55: {  	_ =	shalt  }
0x56: {  	_ =	shalt  }
0x57: {  	_ =	shalt  }
0x58: {  	_ =	shalt  }
0x59: {  	_ =	shalt  }
0x5a: {  	_ =	shalt  }
0x5b: {  	_ =	shalt  }
0x5c: {  	_ =	shalt  }
0x5d: {  	_ =	shalt  }
0x5e: {  	_ =	shalt  }
0x5f: {  	_ =	shalt  }
0x60: {  	_ =	shalt  }
0x61: {  	_ =	shalt  }
0x62: {  	_ =	shalt  }
0x63: {  	_ =	shalt  }
0x64: {  	_ =	shalt  }
0x65: {  	_ =	shalt  }
0x66: {  	_ =	shalt  }
0x67: {  	_ =	shalt  }
0x68: {  	_ =	shalt  }
0x69: {  	_ =	shalt  }
0x6a: {  	_ =	shalt  }
0x6b: {  	_ =	shalt  }
0x6c: {  	_ =	shalt  }
0x6d: {  	_ =	shalt  }
0x6e: {  	_ =	shalt  }
0x6f: {  	_ =	shalt  }
0x70: {  	_ =	shalt  }
0x71: {  	_ =	shalt  }
0x72: {  	_ =	shalt  }
0x73: {  	_ =	shalt  }
0x74: {  	_ =	shalt  }
0x75: {  	_ =	shalt  }
0x76: {  	_ =	shalt  }
0x77: {  	_ =	shalt  }
0x78: {  	_ =	shalt  }
0x79: {  	_ =	shalt  }
0x7a: {  	_ =	shalt  }
0x7b: {  	_ =	shalt  }
0x7c: {  	_ =	shalt  }
0x7d: {  	_ =	shalt  }
0x7e: {  	_ =	shalt  }
0x7f: {  	_ =	shalt  }
0x80: {  	_ =	shalt  }
0x81: {  	_ =	shalt  }
0x82: {  	_ =	shalt  }
0x83: {  	_ =	shalt  }
0x84: {  	_ =	shalt  }
0x85: {  	_ =	shalt  }
0x86: {  	_ =	shalt  }
0x87: {  	_ =	shalt  }
.Lfunc_end0:
.L_simem_size_0:
called_computation_lowered:
.L_overlay_start_0:
0x88: {  	s2 =	sld [smem:$0x3FD9]  }
0x89: {  	s3 =	sld [smem:$0x3FFE];
	_ =	sdelay $0x1  }
0x8a: {  	s1 =	srdreg.scid  }
0x8b: {  	s0 =	sand.u32 $0x1, s1  }
0x8c: {  	s16 =	sshll.u32 s0, $0xA;
	s2 =	sadd.s32 s3, s2  }
0x8d: {  	s2 =	sadd.s32 s2, s16  }
0x8e: {  	[smem:$0x3FC6] =	sst s2  }
0x8f: {  	_ = 	snop  }
0x90: {  	(tm) =	ssettm $0x1  }
0x91: {  	s17 =	sld [smem:$0x3FFB];
	_ =	sdelay $0x3  }
0x92: {  	_ =	strace s17  }
0x93: {  	s2 =	sld [smem:$0x3FFC];
	_ =	sdelay $0x3  }
0x94: {  	_ =	strace s2  }
0x95: {  	s2 =	sld [smem:$0x3FFD];
	_ =	sdelay $0x3  }
0x96: {  	_ =	strace s2  }
0x97: {  	_ =	strace $0x8FFFFFFF  }
0x98: {  	s18 =	sld [smem:$0x3FDB];
	_ =	sdelay $0x1  }
0x99: {  	s19 =	simm.s32 $_scs_section_size  }
0x9a: {  	s4 =	simm.s32 $_size__tile_overlayer_lowered;
	s5 =	simm.s32 $_tile_overlayer_lowered  }
0x9b: {  	s22 =	simm.s32 $0x1BFF;
	s21 =	sshll.u32 s5, $0x1;
	s2 =	sadd.s32 s19, s18  }
0x9c: {  	s6 =	simm.s32 $0x0;
	s20 =	sshll.u32 s4, $0x1;
	s4 =	sadd.s32 s21, s2  }
0x9d: {  	[timem:s6], [sflag:s22] =	dma.local [hbm:s4], s20  }
0x9e: {  	_ =	swait.ge [sflag:s22], s20  }
0x9f: {  	s3 =	ssub.s32 $0x0, s20;
	[sflag:s22] =	ssyncset.done $0x0  }
0xa0: {  	[sflag:s22] =	ssyncadd.s32 s3;
	_ =	sdelay $0x1  }
0xa1: {  	s23 =	simm.s32 $0x1B8B  }
0xa2: {  	_ =	swait.ge [sflag:s23], $0x1  }
0xa3: {  	[sflag:s23] =	ssyncset.done $0x0  }
0xa4: {  	s25 =	simm.s32 $0x1B8E;
	s24 =	sld [smem:$0x3FFE];
	[sflag:s23] =	ssyncadd.s32 $0xFFFFFFFF  }
0xa5: {  	s26 =	simm.s32 $execute0_lowered;
	[smem:$0x3FD2] =	sst s25  }
0xa6: {  	s4 =	sshll.u32 s26, $0x1;
	_ =	strace $0x80000046;
	[dreg:$0x1] =	wrdreg $0xFFFFFFFF  }
0xa7: {  	s28 =	simm.s32 $_size_execute0_lowered;
	s2 =	sadd.s32 s2, s4;
	[dreg:$0x0] =	wrdreg $0x0  }
0xa8: {  	s4 =	sshll.u32 s28, $0x1;
	[dreg:$0x2] =	wrdreg s2  }
0xa9: {  	[dreg:$0x3] =	wrdreg s4  }
0xaa: {  	[dreg:$0x4] =	wrdreg $0xC0  }
0xab: {  	_ =	task [dreg:s6], $0x5FFFF  }
0xac: {  	[dreg:$0x1] =	wrdreg $0xFFFFFFFF  }
0xad: {  	[dreg:$0x0] =	wrdreg $0x60  }
0xae: {  	[dreg:$0x2] =	wrdreg s24  }
0xaf: {  	[dreg:$0x3] =	wrdreg $0x9  }
0xb0: {  	_ =	task.clear_ibuf [dreg:s6], $0x4FFFF;
	_ =	strace $0x90000046  }
0xb1: {  	s29 =	simm.s32 $0x9;
	_ =	strace $0x80000048  }
0xb2: {  	_ =	swait.ge [sflag:s29], $0x1  }
0xb3: {  	[sflag:s29] =	ssyncadd.s32 $0xFFFFFFFF  }
0xb4: {  	_ =	strace $0x90000048  }
0xb5: {  	_ =	sfence  }
0xb6: {  	s30 =	sld [smem:$0x0];
	_ =	sdelay $0x2  }
0xb7: {  	s31 =	sshll.u32 s1, $0xD;
	s1 =	sshrl.u32 s1, $0x2  }
0xb8: {  	s3 =	sand.u32 $0x4000, s31;
	s1 =	sadd.s32 s1, s30  }
0xb9: {  	s0 =	sor.u32 s3, s0;
	s1 =	sshll.u32 s1, $0x11  }
0xba: {  	s0 =	sor.u32 s1, s0  }
0xbb: {  	s0 =	sadd.s32 $0x8F2B, s0  }
0xbc: {  	[sflag:s0] =	ssyncadd.remote.s32 $0x1  }
0xbd: {  	_ =	sfence.sel $0xFFFF  }
0xbe: {  	[dreg:$0x0] =	wrdreg $0xFFFFFFFF;
	(pc) =	sbr.abs _section_cstart, $3  }
0xbf: {  	[dreg:$0x1] =	wrdreg $0xFFFFFFFF  }
0xc0: {  	_ =	task.clear_ibuf [dreg:s6], $0x2FFFF;
	_ =	strace $0x9FFFFFFF  }
0xc1: {  	(tm) =	ssettm $0x7FFFFFFF  }
tec
execute0_lowered:
.L_overlay_start_1:
0x0: {  	(tag) =	ssettag $0x1  }
0x1: {  	s1 =	srdreg.scid;
	s0 =	stileid.u32  }
0x2: {  	s11 =	sand.u32 $0x1, s1;
	s26 =	sshll.u32 s0, $0x1  }
0x3: {  	s9 =	sor.u32 s11, s26  }
0x4: {  	s10 =	rddreg [dreg:$0x0];
	s12 =	smul.u32 $0x240, s9  }
0x5: {  	s2 =	simm.s32 $0x0;
	s1 =	rddreg [dreg:$0x1]  }
0x6: {  	[smem:$0x7FF] =	sst s2;
	s13 =	sadd.s32 $0x4200, s10;
	s3 =	sshrl.u32 s12, $0x3  }
0x7: {  	_ =	strace $0x80000047;
	s4 =	sadd.s32 s13, s3;
	s3 =	simm.s32 $0x2  }
0x8: {  	[tilespmem:s2], [sflag:$0x2] =	stream.linear.gather [hbm4b:s4+s2], $0x120, $0x38;
	[tilespmem:$0x9180] =	vst v63  }
0x9: {  	_ =	swait.ge [sflag:s3], $0x120  }
0xa: {  	s6 =	simm.s32 $0x120;
	s7 =	simm.s32 $0x180;
	[sflag:s3] =	ssyncset.done $0x0  }
0xb: {  	s8 =	simm.s32 $0x1;
	s5 =	sadd.s32 $0x200, s10;
	[sflag:s3] =	ssyncadd.s32 $0xFFFFFEE0  }
0xc: {  	[tilespmem:s7], [sflag:$0x1] =	stream.indirect.gather [hbm4b:s5+s6], $0x80, s2, s6, $0xb8;
	[tilespmem:$0x9180] =	vst v63  }
0xd: {  	s9 =	smul.u32 $0x2400, s9;
	_ =	swait.ge [sflag:s8], $0x9000  }
0xe: {  	s14 =	sadd.s32 $0x4C00, s10;
	[sflag:s8] =	ssyncset.done $0x0  }
0xf: {  	s9 =	sadd.s32 s14, s9;
	[sflag:s8] =	ssyncadd.s32 $0xFFFF7000  }
0x10: {  	[hbm4b:s9+s2] =	stream.linear.scatter [tilespmem:s7], [sflag:$0x2], $0x9000, $0x38;
	[tilespmem:$0x9180] =	vst v63  }
0x11: {  	s12 =	sadd.s32 $0x120, s12;
	_ =	swait.ge [sflag:s3], $0x9000  }
0x12: {  	s28 =	sshrl.u32 s12, $0x3;
	[sflag:s3] =	ssyncset.done $0x0  }
0x13: {  	s11 =	ssub.s32 $0x2, s11;
	s10 =	sadd.s32 s13, s28;
	[sflag:s3] =	ssyncadd.s32 $0xFFFF7000  }
0x14: {  	[tilespmem:s2], [sflag:$0x2] =	stream.linear.gather [hbm4b:s10+s2], $0x120, $0x38;
	[tilespmem:$0x9180] =	vst v63  }
0x15: {  	s29 =	sshrl.u32 s11, $0x1;
	_ =	swait.ge [sflag:s3], $0x120  }
0x16: {  	s13 =	ssub.s32 s11, s29;
	[sflag:s3] =	ssyncset.done $0x0  }
0x17: {  	s31 =	smax.u32 s13, $0x1;
	[sflag:s3] =	ssyncadd.s32 $0xFFFFFEE0  }
0x18: {  	[tilespmem:s7], [sflag:$0x1] =	stream.indirect.gather [hbm4b:s5+s6], $0x80, s2, s6, $0xb8;
	[tilespmem:$0x9180] =	vst v63  }
0x19: {  	p0 =	sne.s32 s31, $0x1;
	_ =	swait.ge [sflag:s8], $0x9000  }
.Ltmp0:
0x1a: {  	s30 =	sshll.u32 s12, $0x4;
	[sflag:s8] =	ssyncset.done $0x0;
	(pc) =	sbr.rel @!p0 .LBB2_2-.Ltmp0, $4  }
0x1b: {  	s11 =	sadd.s32 s14, s30;
	[sflag:s8] =	ssyncadd.s32 $0xFFFF7000  }
0x1c: {  	[hbm4b:s11+s2] =	stream.linear.scatter [tilespmem:s7], [sflag:$0x2], $0x9000, $0x38;
	[tilespmem:$0x9180] =	vst v63  }
0x1d: {  	_ =	swait.ge [sflag:s3], $0x9000  }
0x1e: {  	s12 =	sadd.s32 $0xFFFFFFFF, s31;
	[sflag:s3] =	ssyncset.done $0x0  }
.LBB2_1:
0x1f: {  	p0 =	sne.s32 s12, $0x1;
	s12 =	sadd.s32 $0xFFFFFFFF, s12;
	[sflag:s3] =	ssyncadd.s32 $0xFFFF7000  }
0x20: {  	[tilespmem:s2], [sflag:$0x2] =	stream.linear.gather [hbm4b:s4+s2], $0x120, $0x38;
	[tilespmem:$0x9180] =	vst v63  }
0x21: {  	_ =	swait.ge [sflag:s3], $0x120  }
0x22: {  	[sflag:s3] =	ssyncset.done $0x0  }
0x23: {  	[sflag:s3] =	ssyncadd.s32 $0xFFFFFEE0  }
0x24: {  	[tilespmem:s7], [sflag:$0x1] =	stream.indirect.gather [hbm4b:s5+s6], $0x80, s2, s6, $0xb8;
	[tilespmem:$0x9180] =	vst v63  }
0x25: {  	_ =	swait.ge [sflag:s8], $0x9000  }
0x26: {  	[sflag:s8] =	ssyncset.done $0x0  }
0x27: {  	[sflag:s8] =	ssyncadd.s32 $0xFFFF7000  }
0x28: {  	[hbm4b:s9+s2] =	stream.linear.scatter [tilespmem:s7], [sflag:$0x2], $0x9000, $0x38;
	[tilespmem:$0x9180] =	vst v63  }
0x29: {  	_ =	swait.ge [sflag:s3], $0x9000  }
0x2a: {  	[sflag:s3] =	ssyncset.done $0x0  }
0x2b: {  	[sflag:s3] =	ssyncadd.s32 $0xFFFF7000  }
0x2c: {  	[tilespmem:s2], [sflag:$0x2] =	stream.linear.gather [hbm4b:s10+s2], $0x120, $0x38;
	[tilespmem:$0x9180] =	vst v63  }
0x2d: {  	_ =	swait.ge [sflag:s3], $0x120  }
0x2e: {  	[sflag:s3] =	ssyncset.done $0x0  }
0x2f: {  	[sflag:s3] =	ssyncadd.s32 $0xFFFFFEE0  }
0x30: {  	[tilespmem:s7], [sflag:$0x1] =	stream.indirect.gather [hbm4b:s5+s6], $0x80, s2, s6, $0xb8;
	[tilespmem:$0x9180] =	vst v63  }
0x31: {  	_ =	swait.ge [sflag:s8], $0x9000  }
.Ltmp1:
0x32: {  	[sflag:s8] =	ssyncset.done $0x0;
	(pc) =	sbr.rel @p0 .LBB2_1-.Ltmp1, $4  }
0x33: {  	[sflag:s8] =	ssyncadd.s32 $0xFFFF7000  }
0x34: {  	[hbm4b:s11+s2] =	stream.linear.scatter [tilespmem:s7], [sflag:$0x2], $0x9000, $0x38;
	[tilespmem:$0x9180] =	vst v63  }
0x35: {  	_ =	swait.ge [sflag:s3], $0x9000  }
0x36: {  	[sflag:s3] =	ssyncset.done $0x0  }
.LBB2_2:
0x37: {  	[sflag:s3] =	ssyncadd.s32 $0xFFFF7000  }
0x38: {  	_ =	sfence.sel $0x180000  }
0x39: {  	[bflag:$0x0] =	sbarrier.arrive $0xFFFF  }
0x3a: {  	p0 =	sne.s32 s0, $0x0;
	_ =	strace $0x90000047  }
0x3b: {  	s0 =	sadd.s32 @!p0 $0x100000, s1;
	[bflag:$0x2] =	sbarrier.arrive $0xFFFF  }
0x3c: {  	[sflag:s0] =	ssyncadd.tile.s32 @!p0 $0x1;
	_ =	shalt  }
.Lfunc_end2:
_tile_overlayer_lowered:
.L_overlay_start_2:
0x3d: {  	(tag) =	ssettag $0x2  }
0x3e: {  	s0 =	rddreg [dreg:$0x0];
	s2 =	stileid.u32  }
0x3f: {  	s1 =	rddreg [dreg:$0x1];
	p0 =	sne.s32 s2, $0x0  }
0x40: {  	s3 =	rddreg [dreg:$0x2];
	[bflag:$0x3] =	sbarrier.arrive $0xFFFF;
	s2 =	simm.s32 @!p0 $0x1C02  }
0x41: {  	[timem:s3], [sflag:s2] =	dma.local @!p0 [hbm:s0], s1  }
0x42: {  	s0 =	simm.s32 @!p0 $0x2  }
0x43: {  	_ =	swait.ge @!p0 [sflag:s0], s1  }
0x44: {  	s1 =	ssub.s32 @!p0 $0x0, s1;
	[sflag:s0] =	ssyncset.done @!p0 $0x0  }
0x45: {  	[sflag:s0] =	ssyncadd.s32 @!p0 s1  }
0x46: {  	[bflag:$0x3] =	sbarrier.arrive $0xFFFF  }
0x47: {  	_ =	shalt  }

</sc_bundles>
